<compile_context>
chip_gen: v7x
topology: tpu7x:2x2x1
jax: 0.10.2.dev20260603
libtpu: 0.0.44.dev20260713+nightly
codegen_flags: <defaults>
</compile_context>

<pallas_src>
import dataclasses
import functools

import jax
import jax.numpy as jnp
from jax import lax
from jax.experimental import pallas as pl
from jax.experimental.pallas import tpu as pltpu
from jax.experimental.pallas import tpu_sc as plsc

B, S, D, E, K = 4, 4096, 2048, 16, 2
N = B * S
TILE = 1024
GRID = N // TILE

NC, NS, L = 2, 16, 16
NW = NC * NS
TPW = N // NW
NG = TPW // L


def _tc_gate_kernel(x_ref, w_ref, probs_ref, ltT_ref, ent_ref, ent_acc):
    i = pl.program_id(0)
    logits = jax.lax.dot_general(
        x_ref[...], w_ref[...],
        dimension_numbers=(((1,), (1,)), ((), ())),
        preferred_element_type=jnp.float32,
        precision=jax.lax.Precision.DEFAULT,
    )
    ltT_ref[...] = logits.T

    m1 = jnp.max(logits, axis=1, keepdims=True)
    e = jnp.exp(logits - m1)
    s = jnp.sum(e, axis=1, keepdims=True)
    probs = e / s
    probs_ref[...] = probs

    ent_tile = -jnp.sum(probs * jnp.log(probs + 1e-10))

    @pl.when(i == 0)
    def _init():
        ent_acc[...] = jnp.zeros_like(ent_acc)

    ent_acc[...] += jnp.full((1, 1), ent_tile, jnp.float32)

    @pl.when(i == GRID - 1)
    def _finish():
        ent_ref[...] = ent_acc[...] * (1.0 / N)


def _tc_gate(xf, W):
    return pl.pallas_call(
        _tc_gate_kernel,
        grid=(GRID,),
        in_specs=[
            pl.BlockSpec((TILE, D), lambda i: (i, 0)),
            pl.BlockSpec((E, D), lambda i: (0, 0)),
        ],
        out_specs=(
            pl.BlockSpec((TILE, E), lambda i: (i, 0)),
            pl.BlockSpec((E, TILE), lambda i: (0, i)),
            pl.BlockSpec((1, 1), lambda i: (0, 0)),
        ),
        out_shape=(
            jax.ShapeDtypeStruct((N, E), jnp.float32),
            jax.ShapeDtypeStruct((E, N), jnp.float32),
            jax.ShapeDtypeStruct((1, 1), jnp.float32),
        ),
        scratch_shapes=[pltpu.VMEM((1, 1), jnp.float32)],
    )(xf, W)


def _sc_router_body(ltT_hbm, wflat_hbm, iflat_hbm, conf_hbm, cnt_hbm,
                    lt_v, wbuf, ibuf, cnt_v, conf_v, sem):
    wid = lax.axis_index("s") * NC + lax.axis_index("c")
    base = wid * TPW
    pltpu.async_copy(ltT_hbm.at[:, pl.ds(base, TPW)], lt_v, sem).wait()

    zf = jnp.zeros((L,), jnp.float32)
    cnt_v[...] = zf
    conf_v[...] = zf
    iota = lax.broadcasted_iota(jnp.int32, (L,), 0)
    ones = jnp.full((L,), 1.0, jnp.float32)

    @pl.loop(0, NG)
    def _group(g):
        sl = pl.ds(g * L, L)
        m1 = lt_v[0, sl]
        a1 = jnp.zeros((L,), jnp.int32)
        m2 = jnp.full((L,), -jnp.inf, jnp.float32)
        a2 = jnp.zeros((L,), jnp.int32)
        for e in range(1, E):
            v = lt_v[e, sl]
            ev = jnp.full((L,), e, jnp.int32)
            gt1 = v > m1
            gt2 = v > m2
            m2 = jnp.where(gt1, m1, jnp.where(gt2, v, m2))
            a2 = jnp.where(gt1, a1, jnp.where(gt2, ev, a2))
            m1 = jnp.where(gt1, v, m1)
            a1 = jnp.where(gt1, ev, a1)
        t = jnp.exp(m2 - m1)
        denom = 1.0 + t
        w1 = 1.0 / denom
        w2 = t / denom
        pos = iota * 2 + g * (2 * L)
        plsc.store_scatter(wbuf, [pos], w1)
        plsc.store_scatter(wbuf, [pos + 1], w2)
        plsc.store_scatter(ibuf, [pos], a1)
        plsc.store_scatter(ibuf, [pos + 1], a2)
        conf_v[...] += w1
        plsc.addupdate_scatter(cnt_v, [a1], ones)
        plsc.addupdate_scatter(cnt_v, [a2], ones)

    pltpu.async_copy(wbuf, wflat_hbm.at[pl.ds(2 * base, 2 * TPW)], sem).wait()
    pltpu.async_copy(ibuf, iflat_hbm.at[pl.ds(2 * base, 2 * TPW)], sem).wait()
    pltpu.async_copy(conf_v, conf_hbm.at[wid], sem).wait()
    pltpu.async_copy(cnt_v, cnt_hbm.at[wid], sem).wait()


def _sc_compiler_params():
    cp = pltpu.CompilerParams()
    if "needs_layout_passes" in pltpu.CompilerParams.__dataclass_fields__:
        cp = dataclasses.replace(cp, needs_layout_passes=False)
    return cp


def _sc_router(ltT):
    k = pl.kernel(
        _sc_router_body,
        mesh=plsc.VectorSubcoreMesh(core_axis_name="c", subcore_axis_name="s"),
        compiler_params=_sc_compiler_params(),
        out_type=(
            jax.ShapeDtypeStruct((2 * N,), jnp.float32),
            jax.ShapeDtypeStruct((2 * N,), jnp.int32),
            jax.ShapeDtypeStruct((NW, L), jnp.float32),
            jax.ShapeDtypeStruct((NW, L), jnp.float32),
        ),
        scratch_types=[
            pltpu.VMEM((E, TPW), jnp.float32),
            pltpu.VMEM((2 * TPW,), jnp.float32),
            pltpu.VMEM((2 * TPW,), jnp.int32),
            pltpu.VMEM((L,), jnp.float32),
            pltpu.VMEM((L,), jnp.float32),
            pltpu.SemaphoreType.DMA,
        ],
    )
    return k(ltT)


def _sc_trivial_body(ltT_hbm, out_hbm, buf_v, sem):
    wid = lax.axis_index("s") * NC + lax.axis_index("c")
    pltpu.async_copy(ltT_hbm.at[0, pl.ds(wid * L, L)], buf_v, sem).wait()
    pltpu.async_copy(buf_v, out_hbm.at[wid], sem).wait()


def _sc_trivial(ltT):
    k = pl.kernel(
        _sc_trivial_body,
        mesh=plsc.VectorSubcoreMesh(core_axis_name="c", subcore_axis_name="s"),
        compiler_params=_sc_compiler_params(),
        out_type=jax.ShapeDtypeStruct((NW, L), jnp.float32),
        scratch_types=[pltpu.VMEM((L,), jnp.float32), pltpu.SemaphoreType.DMA],
    )
    return k(ltT)


@jax.jit
def kernel(x, W):
    xf = x.reshape(N, D)
    probs, ltT, ent = _tc_gate(xf, W)
    o = _sc_trivial(ltT)
    return (probs, ltT, ent, o)

# --- scband reference (transcript-rebuilt; emitter-appended) ---
"""Pipeline reference for scband-temperature-router-32908039421952 (READ-ONLY COPY).

The authoritative reference and input builder live on the scoring server;
editing this copy changes nothing except your own understanding.
"""

import jax, jax.numpy as jnp
import numpy as np

B, S, D, E, K = 4, 4096, 2048, 16, 2
TEMPERATURE = 1.0


def setup_inputs(seed: int = 0) -> dict:
    key = jax.random.key(seed)
    k1, k2 = jax.random.split(key)
    x = jax.random.normal(k1, (B, S, D), dtype=jnp.float32)
    # gate: nn.Linear(d_model, num_experts, bias=False) -> weight [E, D]
    W = jax.random.normal(k2, (E, D), dtype=jnp.float32) * (1.0 / np.sqrt(D))
    return {"x": x, "W": W}


def reference(x, W):
    # router_logits = gate(x) = x @ W.T
    router_logits = jnp.einsum('bsd,ed->bse', x, W)
    # eval mode: no noise injection
    scaled_logits = router_logits / TEMPERATURE
    router_probs = jax.nn.softmax(scaled_logits, axis=-1)
    top_k_logits, top_k_indices = jax.lax.top_k(scaled_logits, K)
    top_k_weights = jax.nn.softmax(top_k_logits, axis=-1)
    # routing stats (no_grad in torch; plain computation here)
    entropy = -jnp.sum(router_probs * jnp.log(router_probs + 1e-10), axis=-1)
    avg_entropy = entropy.mean()
    top1_confidence = top_k_weights[:, :, 0].mean()
    expert_mask = jax.nn.one_hot(top_k_indices, E, dtype=jnp.float32)
    expert_usage = expert_mask.sum(axis=(0, 1, 2)) / (expert_mask.sum() + 1e-10)
    return (top_k_weights, top_k_indices, router_probs, avg_entropy, top1_confidence, expert_usage)

if __name__ == "__main__":
    import jax
    _d = setup_inputs()
    print(jax.jit(kernel)(*tuple(_d.values())))

</pallas_src>

<mosaic_0001>
#map = affine_map<(d0, d1) -> (0, 0)>
module attributes {stable_mosaic.version = 14 : i64} {
  func.func @_sc_trivial_body(%arg0: i32, %arg1: i32, %arg2: memref<16x16384xf32, #tpu.memory_space<hbm>>, %arg3: memref<32x16xf32, #tpu.memory_space<hbm>>, %arg4: memref<16xf32, #tpu.memory_space<vmem>>, %arg5: memref<!tpu.dma_semaphore, #tpu.memory_space<semaphore_mem>>) attributes {dimension_semantics = [#tpu.dimension_semantics<core_parallel>, #tpu.dimension_semantics<subcore_parallel>], iteration_bounds = array<i64: 2, 16>, scalar_prefetch = 0 : i64, scratch_operands = 2 : i64, tpu.core_type = #tpu.core_type<sc_vector_subcore>, window_params = [{transform_indices = #map}, {transform_indices = #map}]} {
    %mul3A = arith.constant 2 : i32
    %mul3A_0 = arith.muli %arg1, %mul3A : i32
    %add3A = arith.addi %mul3A_0, %arg0 : i32
    %mul3A_1 = arith.constant 16 : i32
    %mul3A_2 = arith.muli %add3A, %mul3A_1 : i32
    %dma_start3A = arith.constant 0 : i32
    %dma_start3A_3 = tpu.memref_slice %arg2[%dma_start3A, %mul3A_2] : memref<16x16384xf32, #tpu.memory_space<hbm>> -> memref<1x16xf32, #tpu.memory_space<hbm>>
    %dma_start3A_4 = tpu.memref_squeeze %dma_start3A_3 : memref<1x16xf32, #tpu.memory_space<hbm>> -> memref<16xf32, #tpu.memory_space<hbm>>
    %dma_start3A_5 = tpu.memref_slice %arg2[%dma_start3A, %mul3A_2] : memref<16x16384xf32, #tpu.memory_space<hbm>> -> memref<1x16xf32, #tpu.memory_space<hbm>>
    %dma_start3A_6 = tpu.memref_squeeze %dma_start3A_5 : memref<1x16xf32, #tpu.memory_space<hbm>> -> memref<16xf32, #tpu.memory_space<hbm>>
    tpu.enqueue_dma source(%dma_start3A_6 : memref<16xf32, #tpu.memory_space<hbm>>) target(%arg4 : memref<16xf32, #tpu.memory_space<vmem>>) target_semaphore(%arg5 : memref<!tpu.dma_semaphore, #tpu.memory_space<semaphore_mem>>)
    %dma_wait3A = arith.constant 0 : i32
    %dma_wait3A_7 = tpu.memref_slice %arg2[%dma_wait3A, %mul3A_2] : memref<16x16384xf32, #tpu.memory_space<hbm>> -> memref<1x16xf32, #tpu.memory_space<hbm>>
    %dma_wait3A_8 = tpu.memref_squeeze %dma_wait3A_7 : memref<1x16xf32, #tpu.memory_space<hbm>> -> memref<16xf32, #tpu.memory_space<hbm>>
    %dma_wait3A_9 = tpu.memref_slice %arg2[%dma_wait3A, %mul3A_2] : memref<16x16384xf32, #tpu.memory_space<hbm>> -> memref<1x16xf32, #tpu.memory_space<hbm>>
    %dma_wait3A_10 = tpu.memref_squeeze %dma_wait3A_9 : memref<1x16xf32, #tpu.memory_space<hbm>> -> memref<16xf32, #tpu.memory_space<hbm>>
    tpu.wait_dma2 semaphore(%arg5 : memref<!tpu.dma_semaphore, #tpu.memory_space<semaphore_mem>>) src(%dma_wait3A_10 : memref<16xf32, #tpu.memory_space<hbm>>) dst(%arg4 : memref<16xf32, #tpu.memory_space<vmem>>)
    %dma_start3A_11 = arith.constant 0 : i32
    %dma_start3A_12 = tpu.memref_slice %arg3[%add3A, %dma_start3A_11] : memref<32x16xf32, #tpu.memory_space<hbm>> -> memref<1x16xf32, #tpu.memory_space<hbm>>
    %dma_start3A_13 = tpu.memref_squeeze %dma_start3A_12 : memref<1x16xf32, #tpu.memory_space<hbm>> -> memref<16xf32, #tpu.memory_space<hbm>>
    %dma_start3A_14 = arith.constant 0 : i32
    %dma_start3A_15 = tpu.memref_slice %arg3[%add3A, %dma_start3A_14] : memref<32x16xf32, #tpu.memory_space<hbm>> -> memref<1x16xf32, #tpu.memory_space<hbm>>
    %dma_start3A_16 = tpu.memref_squeeze %dma_start3A_15 : memref<1x16xf32, #tpu.memory_space<hbm>> -> memref<16xf32, #tpu.memory_space<hbm>>
    tpu.enqueue_dma source(%arg4 : memref<16xf32, #tpu.memory_space<vmem>>) target(%dma_start3A_16 : memref<16xf32, #tpu.memory_space<hbm>>) target_semaphore(%arg5 : memref<!tpu.dma_semaphore, #tpu.memory_space<semaphore_mem>>)
    %dma_wait3A_17 = arith.constant 0 : i32
    %dma_wait3A_18 = tpu.memref_slice %arg3[%add3A, %dma_wait3A_17] : memref<32x16xf32, #tpu.memory_space<hbm>> -> memref<1x16xf32, #tpu.memory_space<hbm>>
    %dma_wait3A_19 = tpu.memref_squeeze %dma_wait3A_18 : memref<1x16xf32, #tpu.memory_space<hbm>> -> memref<16xf32, #tpu.memory_space<hbm>>
    %dma_wait3A_20 = arith.constant 0 : i32
    %dma_wait3A_21 = tpu.memref_slice %arg3[%add3A, %dma_wait3A_20] : memref<32x16xf32, #tpu.memory_space<hbm>> -> memref<1x16xf32, #tpu.memory_space<hbm>>
    %dma_wait3A_22 = tpu.memref_squeeze %dma_wait3A_21 : memref<1x16xf32, #tpu.memory_space<hbm>> -> memref<16xf32, #tpu.memory_space<hbm>>
    tpu.wait_dma2 semaphore(%arg5 : memref<!tpu.dma_semaphore, #tpu.memory_space<semaphore_mem>>) src(%arg4 : memref<16xf32, #tpu.memory_space<vmem>>) dst(%dma_wait3A_22 : memref<16xf32, #tpu.memory_space<hbm>>)
    return
  }
}

module attributes {stable_mosaic.version = 14 : i64} {
  func.func @_tc_gate_kernel(%arg0: i32, %arg1: memref<1024x2048xf32, #tpu.memory_space<vmem>>, %arg2: memref<16x2048xf32, #tpu.memory_space<vmem>>, %arg3: memref<1024x16xf32, #tpu.memory_space<vmem>>, %arg4: memref<16x1024xf32, #tpu.memory_space<vmem>>, %arg5: memref<1x1xf32, #tpu.memory_space<vmem>>, %arg6: memref<1x1xf32, #tpu.memory_space<vmem>>) attributes {dimension_semantics = [#tpu.dimension_semantics<arbitrary>], iteration_bounds = array<i64: 16>, scalar_prefetch = 0 : i64, scratch_operands = 1 : i64, tpu.core_type = #tpu.core_type<tc>, window_params = [{transform_indices = @transform_0, window_bounds = array<i64: 1024, 2048>}, {pipeline_mode = #tpu.pipeline_mode<synchronous>, transform_indices = @transform_1, window_bounds = array<i64: 16, 2048>}, {transform_indices = @transform_2, window_bounds = array<i64: 1024, 16>}, {transform_indices = @transform_3, window_bounds = array<i64: 16, 1024>}, {pipeline_mode = #tpu.pipeline_mode<synchronous>, transform_indices = @transform_4, window_bounds = array<i64: 1, 1>}]} {
    %get3A = arith.constant 0 : index
    %get3A_0 = arith.constant 0 : index
    %get3A_1 = vector.load %arg1[%get3A, %get3A_0] : memref<1024x2048xf32, #tpu.memory_space<vmem>>, vector<1024x2048xf32>
    %get3A_2 = arith.constant 0 : index
    %get3A_3 = arith.constant 0 : index
    %get3A_4 = vector.load %arg2[%get3A_2, %get3A_3] : memref<16x2048xf32, #tpu.memory_space<vmem>>, vector<16x2048xf32>
    %dot_general3A = arith.constant dense<0.000000e+00> : vector<1024x16xf32>
    %dot_general3A_5 = tpu.matmul %get3A_1, %get3A_4, %dot_general3A {dimension_numbers = #tpu.dot_dimension_numbers<[1], [1], [0], [0], [0, 0, 1, 0], [], []>, transpose_lhs_hint = false} : vector<1024x2048xf32>, vector<16x2048xf32>, vector<1024x16xf32> -> vector<1024x16xf32>
    %transpose3A = tpu.transpose %dot_general3A_5, [1, 0] : vector<1024x16xf32> -> vector<16x1024xf32>
    %swap3A = arith.constant 0 : index
    %swap3A_6 = arith.constant 0 : index
    %swap3A_7 = vector.load %arg4[%swap3A, %swap3A_6] : memref<16x1024xf32, #tpu.memory_space<vmem>>, vector<16x1024xf32>
    tpu.vector_store %arg4[%swap3A, %swap3A_6], %transpose3A {strides = array<i32>} : memref<16x1024xf32, #tpu.memory_space<vmem>>, vector<16x1024xf32>,
    %reduce_max3A = arith.constant dense<0xFF800000> : vector<1024xf32>
    %reduce_max3A_8 = vector.multi_reduction <maximumf>, %dot_general3A_5, %reduce_max3A [1] : vector<1024x16xf32> to vector<1024xf32>
    %broadcast_in_dim3A = vector.shape_cast %reduce_max3A_8 : vector<1024xf32> to vector<1024x1xf32>
    %sub3A = vector.broadcast %broadcast_in_dim3A : vector<1024x1xf32> to vector<1024x16xf32>
    %sub3A_9 = arith.subf %dot_general3A_5, %sub3A : vector<1024x16xf32>
    %exp3A = math.exp %sub3A_9 : vector<1024x16xf32>
    %reduce_sum3A = arith.constant dense<0.000000e+00> : vector<1024xf32>
    %reduce_sum3A_10 = vector.multi_reduction <add>, %exp3A, %reduce_sum3A [1] : vector<1024x16xf32> to vector<1024xf32>
    %broadcast_in_dim3A_11 = vector.shape_cast %reduce_sum3A_10 : vector<1024xf32> to vector<1024x1xf32>
    %div3A = vector.broadcast %broadcast_in_dim3A_11 : vector<1024x1xf32> to vector<1024x16xf32>
    %div3A_12 = arith.divf %exp3A, %div3A : vector<1024x16xf32>
    %swap3A_13 = arith.constant 0 : index
    %swap3A_14 = arith.constant 0 : index
    %swap3A_15 = vector.load %arg3[%swap3A_13, %swap3A_14] : memref<1024x16xf32, #tpu.memory_space<vmem>>, vector<1024x16xf32>
    tpu.vector_store %arg3[%swap3A_13, %swap3A_14], %div3A_12 {strides = array<i32>} : memref<1024x16xf32, #tpu.memory_space<vmem>>, vector<1024x16xf32>,
    %add3A = arith.constant 1.000000e-10 : f32
    %add3A_16 = vector.broadcast %add3A : f32 to vector<1024x16xf32>
    %add3A_17 = arith.addf %div3A_12, %add3A_16 : vector<1024x16xf32>
    %log3A = math.log %add3A_17 : vector<1024x16xf32>
    %mul3A = arith.mulf %div3A_12, %log3A : vector<1024x16xf32>
    %reduce_sum3A_18 = vector.shape_cast %mul3A : vector<1024x16xf32> to vector<1x1024x16xf32>
    %reduce_sum3A_19 = arith.constant dense<0.000000e+00> : vector<1xf32>
    %reduce_sum3A_20 = vector.multi_reduction <add>, %reduce_sum3A_18, %reduce_sum3A_19 [1, 2] : vector<1x1024x16xf32> to vector<1xf32>
    %reduce_sum3A_21 = vector.shape_cast %reduce_sum3A_20 : vector<1xf32> to vector<1x1x1xf32>
    %reduce_sum3A_22 = vector.extract %reduce_sum3A_21[0, 0, 0] : f32 from vector<1x1x1xf32>
    %neg3A = arith.constant 0.000000e+00 : f32
    %neg3A_23 = arith.subf %neg3A, %reduce_sum3A_22 : f32
    %eq3A = arith.constant 0 : i32
    %eq3A_24 = arith.cmpi eq, %arg0, %eq3A : i32
    %convert_element_type3A = arith.extui %eq3A_24 : i1 to i32
    %cond3A = arith.constant 0 : i32
    %cond3A_25 = arith.cmpi ne, %convert_element_type3A, %cond3A : i32
    scf.if %cond3A_25 {
      %broadcast_in_dim3A_39 = arith.constant 0.000000e+00 : f32
      %broadcast_in_dim3A_40 = vector.broadcast %broadcast_in_dim3A_39 : f32 to vector<1x1xf32>
      %swap3A_41 = arith.constant 0 : index
      %swap3A_42 = arith.constant 0 : index
      %swap3A_43 = vector.load %arg6[%swap3A_41, %swap3A_42] : memref<1x1xf32, #tpu.memory_space<vmem>>, vector<1x1xf32>
      tpu.vector_store %arg6[%swap3A_41, %swap3A_42], %broadcast_in_dim3A_40 {strides = array<i32>} : memref<1x1xf32, #tpu.memory_space<vmem>>, vector<1x1xf32>,
    } else {
    }
    %get3A_26 = arith.constant 0 : index
    %get3A_27 = arith.constant 0 : index
    %get3A_28 = vector.load %arg6[%get3A_26, %get3A_27] : memref<1x1xf32, #tpu.memory_space<vmem>>, vector<1x1xf32>
    %broadcast_in_dim3A_29 = vector.broadcast %neg3A_23 : f32 to vector<1x1xf32>
    %add3A_30 = arith.addf %get3A_28, %broadcast_in_dim3A_29 : vector<1x1xf32>
    %swap3A_31 = arith.constant 0 : index
    %swap3A_32 = arith.constant 0 : index
    %swap3A_33 = vector.load %arg6[%swap3A_31, %swap3A_32] : memref<1x1xf32, #tpu.memory_space<vmem>>, vector<1x1xf32>
    tpu.vector_store %arg6[%swap3A_31, %swap3A_32], %add3A_30 {strides = array<i32>} : memref<1x1xf32, #tpu.memory_space<vmem>>, vector<1x1xf32>,
    %eq3A_34 = arith.constant 15 : i32
    %eq3A_35 = arith.cmpi eq, %arg0, %eq3A_34 : i32
    %convert_element_type3A_36 = arith.extui %eq3A_35 : i1 to i32
    %cond3A_37 = arith.constant 0 : i32
    %cond3A_38 = arith.cmpi ne, %convert_element_type3A_36, %cond3A_37 : i32
    scf.if %cond3A_38 {
      %get3A_39 = arith.constant 0 : index
      %get3A_40 = arith.constant 0 : index
      %get3A_41 = vector.load %arg6[%get3A_39, %get3A_40] : memref<1x1xf32, #tpu.memory_space<vmem>>, vector<1x1xf32>
      %mul3A_42 = arith.constant 6.10351563E-5 : f32
      %mul3A_43 = vector.broadcast %mul3A_42 : f32 to vector<1x1xf32>
      %mul3A_44 = arith.mulf %get3A_41, %mul3A_43 : vector<1x1xf32>
      %swap3A_45 = arith.constant 0 : index
      %swap3A_46 = arith.constant 0 : index
      %swap3A_47 = vector.load %arg5[%swap3A_45, %swap3A_46] : memref<1x1xf32, #tpu.memory_space<vmem>>, vector<1x1xf32>
      tpu.vector_store %arg5[%swap3A_45, %swap3A_46], %mul3A_44 {strides = array<i32>} : memref<1x1xf32, #tpu.memory_space<vmem>>, vector<1x1xf32>,
    } else {
    }
    return
  }
  func.func @transform_0(%arg0: i32) -> (i32, i32) {
    %c0_i32 = arith.constant 0 : i32
    %c0_i32_0 = arith.constant 0 : i32
    return %arg0, %c0_i32 : i32, i32
  }
  func.func @transform_1(%arg0: i32) -> (i32, i32) {
    %c0_i32 = arith.constant 0 : i32
    %c0_i32_0 = arith.constant 0 : i32
    %c0_i32_1 = arith.constant 0 : i32
    return %c0_i32, %c0_i32_0 : i32, i32
  }
  func.func @transform_2(%arg0: i32) -> (i32, i32) {
    %c0_i32 = arith.constant 0 : i32
    %c0_i32_0 = arith.constant 0 : i32
    return %arg0, %c0_i32 : i32, i32
  }
  func.func @transform_3(%arg0: i32) -> (i32, i32) {
    %c0_i32 = arith.constant 0 : i32
    %c0_i32_0 = arith.constant 0 : i32
    return %c0_i32, %arg0 : i32, i32
  }
  func.func @transform_4(%arg0: i32) -> (i32, i32) {
    %c0_i32 = arith.constant 0 : i32
    %c0_i32_0 = arith.constant 0 : i32
    %c0_i32_1 = arith.constant 0 : i32
    return %c0_i32, %c0_i32_0 : i32, i32
  }
}

</mosaic_0001>

<sc_bundles>
// kernel: kernel.4.cloned.1.call-start
scs
__scs_entry_jumppad:
0x0: {  	(pc) =	sbr.rel $0x88, $3  }
0x1: {  	(tag) =	ssettag $0x0;
	lr =	simm.s32 $0x1  }
0x2: {  	[smem:$0x3F9F] =	sst lr;
	_ =	strace $0xD0000000  }
0x3: {  	_ = 	snop  }
0x4: {  	_ = 	snop  }
0x5: {  	_ = 	snop  }
0x6: {  	_ = 	snop  }
0x7: {  	_ = 	snop  }
__scs_overlays_trampoline_lowered:
0x8: {  	[smem:$0x3FAE] =	sst s0  }
0x9: {  	[smem:$0x3FAF] =	sst s1  }
0xa: {  	[smem:$0x3FB0] =	sst s2  }
0xb: {  	[smem:$0x3FB1] =	sst s3  }
0xc: {  	[smem:$0x3FB2] =	sst s4  }
0xd: {  	[smem:$0x3FB3] =	sst s5  }
0xe: {  	[smem:$0x3FB4] =	sst s6  }
0xf: {  	[smem:$0x3FB5] =	sst s7  }
0x10: {  	[smem:$0x3FB6] =	sst s8  }
0x11: {  	[smem:$0x3FB7] =	sst s9;
	s0 =	simm.s32 @!p0 $0x0  }
0x12: {  	s1 =	sld [smem:$0x3F9D];
	s0 =	simm.s32 @p0 $0x1  }
0x13: {  	[smem:$0x3FB8] =	sst s0;
	s0 =	simm.s32 @!p1 $0x0  }
0x14: {  	s2 =	sld [smem:$0x3F9C];
	s0 =	simm.s32 @p1 $0x1  }
0x15: {  	[smem:$0x3FB9] =	sst s0;
	s0 =	simm.s32 @!p2 $0x0  }
0x16: {  	s3 =	sld [smem:$0x3FDB];
	s0 =	simm.s32 @p2 $0x1  }
0x17: {  	s4 =	simm.s32 $0x1BF5;
	[smem:$0x3FBB] =	sst s0  }
0x18: {  	s0 =	sld [smem:$0x3F9E];
	_ =	swait.ge [sflag:s4], $0x0  }
0x19: {  	s7 =	sld [smem:$0x3F9F]  }
0x1a: {  	s8 =	sadd.s32 $0xFFFFE003, lr  }
0x1b: {  	s9 =	sadd.s32 $0xFFFFFEF7, lr;
	s5 =	simm.s32 $0xFFFFFFFF;
	p2 =	slt.u32 s8, $0xFFFFF086  }
0x1c: {  	p1 =	slt.u32 s9, $0xF7A;
	s5 =	simm.s32 @!p2 $0x0  }
0x1d: {  	s5 =	simm.s32 @p1 $0x1;
	p0 =	seq.s32 s7, s2  }
0x1e: {  	s7 =	smul.u32 @!p0 $0xF7A, s2;
	p2 =	seq.s32 @!p0 s5, $0x0  }
0x1f: {  	s9 =	smul.u32 $0xF7A, s1;
	s8 =	simm.s32 @!p0 $0x1BF5;
	p2 =	por !p2, p0  }
0x20: {  	[sflag:s8] =	ssyncset.s32 @!p0 $0xFFFFF086;
	s6 =	sadd.s32 @!p0 s3, s7;
	s7 =	simm.s32 @!p0 $0x108  }
0x21: {  	s3 =	sadd.s32 s3, s9;
	s6 =	sadd.s32 @!p0 $0x88, s6;
	s7 =	simm.s32 @p2 $0x1082  }
0x22: {  	[simem:s7], [sflag:s8] =	dma.local @!p0 [hbm:s6], $0xF7A  }
0x23: {  	s9 =	sor.u32 $0xD0000000, s2;
	s6 =	simm.s32 $0x108;
	_ =	swait.ge @!p0 [sflag:s8], $0x0  }
0x24: {  	s3 =	sadd.s32 $0x88, s3;
	s6 =	simm.s32 @!p1 $0x1082;
	[sflag:s4] =	ssyncset.s32 $0xFFFFF086  }
0x25: {  	[simem:s6], [sflag:s4] =	dma.local [hbm:s3], $0xF7A  }
0x26: {  	[smem:$0x3F9F] =	sst s1;
	(tag) =	ssettag s2;
	_ =	strace s9  }
0x27: {  	s1 =	sld [smem:$0x3FAF]  }
0x28: {  	s2 =	sld [smem:$0x3FB0]  }
0x29: {  	s4 =	sld [smem:$0x3FB2]  }
0x2a: {  	p0 =	seq.s32 s5, $0x0;
	s5 =	sld [smem:$0x3FB3]  }
0x2b: {  	s6 =	sld [smem:$0x3FB4]  }
0x2c: {  	s7 =	sld [smem:$0x3FB5]  }
0x2d: {  	s3 =	simm.s32 $0x108;
	s8 =	sld [smem:$0x3FB6]  }
0x2e: {  	s3 =	simm.s32 @!p0 $0x1082;
	s9 =	sld [smem:$0x3FB7]  }
0x2f: {  	lr =	sadd.s32 s0, s3;
	s0 =	sld [smem:$0x3FAE]  }
0x30: {  	s3 =	sld [smem:$0x3FB1]  }
0x31: {  	[smem:$0x3FBA] =	sst s10  }
0x32: {  	s10 =	sld [smem:$0x3FB8];
	_ =	sdelay $0x3  }
0x33: {  	p0 =	seq.s32 s10, $0x1;
	s10 =	sld [smem:$0x3FBA];
	_ =	sdelay $0x3  }
0x34: {  	[smem:$0x3FBA] =	sst s10  }
0x35: {  	s10 =	sld [smem:$0x3FB9];
	_ =	sdelay $0x3  }
0x36: {  	p1 =	seq.s32 s10, $0x1;
	s10 =	sld [smem:$0x3FBA];
	_ =	sdelay $0x3  }
0x37: {  	[smem:$0x3FBA] =	sst s10  }
0x38: {  	s10 =	sld [smem:$0x3FBB]  }
0x39: {  	_ = 	snop;
	(pc) =	sbr.ind lr, $3  }
0x3a: {  	_ = 	snop  }
0x3b: {  	_ = 	snop  }
0x3c: {  	p2 =	seq.s32 s10, $0x1;
	s10 =	sld [smem:$0x3FBA]  }
0x3d: {  	_ =	shalt  }
0x3e: {  	_ =	shalt  }
0x3f: {  	_ =	shalt  }
0x40: {  	_ =	shalt  }
0x41: {  	_ =	shalt  }
0x42: {  	_ =	shalt  }
0x43: {  	_ =	shalt  }
0x44: {  	_ =	shalt  }
0x45: {  	_ =	shalt  }
0x46: {  	_ =	shalt  }
0x47: {  	_ =	shalt  }
0x48: {  	_ =	shalt  }
0x49: {  	_ =	shalt  }
0x4a: {  	_ =	shalt  }
0x4b: {  	_ =	shalt  }
0x4c: {  	_ =	shalt  }
0x4d: {  	_ =	shalt  }
0x4e: {  	_ =	shalt  }
0x4f: {  	_ =	shalt  }
0x50: {  	_ =	shalt  }
0x51: {  	_ =	shalt  }
0x52: {  	_ =	shalt  }
0x53: {  	_ =	shalt  }
0x54: {  	_ =	shalt  }
0x55: {  	_ =	shalt  }
0x56: {  	_ =	shalt  }
0x57: {  	_ =	shalt  }
0x58: {  	_ =	shalt  }
0x59: {  	_ =	shalt  }
0x5a: {  	_ =	shalt  }
0x5b: {  	_ =	shalt  }
0x5c: {  	_ =	shalt  }
0x5d: {  	_ =	shalt  }
0x5e: {  	_ =	shalt  }
0x5f: {  	_ =	shalt  }
0x60: {  	_ =	shalt  }
0x61: {  	_ =	shalt  }
0x62: {  	_ =	shalt  }
0x63: {  	_ =	shalt  }
0x64: {  	_ =	shalt  }
0x65: {  	_ =	shalt  }
0x66: {  	_ =	shalt  }
0x67: {  	_ =	shalt  }
0x68: {  	_ =	shalt  }
0x69: {  	_ =	shalt  }
0x6a: {  	_ =	shalt  }
0x6b: {  	_ =	shalt  }
0x6c: {  	_ =	shalt  }
0x6d: {  	_ =	shalt  }
0x6e: {  	_ =	shalt  }
0x6f: {  	_ =	shalt  }
0x70: {  	_ =	shalt  }
0x71: {  	_ =	shalt  }
0x72: {  	_ =	shalt  }
0x73: {  	_ =	shalt  }
0x74: {  	_ =	shalt  }
0x75: {  	_ =	shalt  }
0x76: {  	_ =	shalt  }
0x77: {  	_ =	shalt  }
0x78: {  	_ =	shalt  }
0x79: {  	_ =	shalt  }
0x7a: {  	_ =	shalt  }
0x7b: {  	_ =	shalt  }
0x7c: {  	_ =	shalt  }
0x7d: {  	_ =	shalt  }
0x7e: {  	_ =	shalt  }
0x7f: {  	_ =	shalt  }
0x80: {  	_ =	shalt  }
0x81: {  	_ =	shalt  }
0x82: {  	_ =	shalt  }
0x83: {  	_ =	shalt  }
0x84: {  	_ =	shalt  }
0x85: {  	_ =	shalt  }
0x86: {  	_ =	shalt  }
0x87: {  	_ =	shalt  }
.Lfunc_end0:
.L_simem_size_0:
called_computation_lowered:
.L_overlay_start_0:
0x88: {  	s2 =	sld [smem:$0x3FD9]  }
0x89: {  	s3 =	sld [smem:$0x3FFE];
	_ =	sdelay $0x1  }
0x8a: {  	s1 =	srdreg.scid  }
0x8b: {  	s0 =	sand.u32 $0x1, s1  }
0x8c: {  	s14 =	sshll.u32 s0, $0xA;
	s2 =	sadd.s32 s3, s2  }
0x8d: {  	s2 =	sadd.s32 s2, s14  }
0x8e: {  	[smem:$0x3FC6] =	sst s2  }
0x8f: {  	_ = 	snop  }
0x90: {  	s2 =	sld [smem:$0x3FD0];
	_ =	sdelay $0x2  }
0x91: {  	s15 =	simm.s32 $0xA;
	s4 =	simm.s32 $0x10  }
0x92: {  	[smem:s4], [sflag:s15] =	dma.local [hbm:s2], $0x1  }
0x93: {  	_ =	swait.eq [sflag:s15], $0x1  }
0x94: {  	[sflag:s15] =	ssyncset.done $0x0  }
0x95: {  	[sflag:s15] =	ssyncadd.s32 $0xFFFFFFFF  }
0x96: {  	s16 =	sld [smem:$0x11];
	(tm) =	ssettm $0x1  }
0x97: {  	s17 =	sld [smem:$0x3FFB];
	_ =	sdelay $0x3  }
0x98: {  	_ =	strace s17  }
0x99: {  	s3 =	sld [smem:$0x3FFC];
	_ =	sdelay $0x3  }
0x9a: {  	_ =	strace s3  }
0x9b: {  	s3 =	sld [smem:$0x3FFD];
	_ =	sdelay $0x3  }
0x9c: {  	_ =	strace s3  }
0x9d: {  	_ =	strace $0x8FFFFFFF  }
0x9e: {  	s18 =	sld [smem:$0x3FDB];
	_ =	sdelay $0x1  }
0x9f: {  	s19 =	simm.s32 $_scs_section_size  }
0xa0: {  	s5 =	simm.s32 $_size__tile_overlayer_lowered;
	s6 =	simm.s32 $_tile_overlayer_lowered  }
0xa1: {  	s22 =	simm.s32 $0x1BFF;
	s21 =	sshll.u32 s6, $0x1;
	s3 =	sadd.s32 s19, s18  }
0xa2: {  	s7 =	simm.s32 $0x0;
	s20 =	sshll.u32 s5, $0x1;
	s5 =	sadd.s32 s21, s3  }
0xa3: {  	[timem:s7], [sflag:s22] =	dma.local [hbm:s5], s20  }
0xa4: {  	_ =	swait.ge [sflag:s22], s20  }
0xa5: {  	s4 =	ssub.s32 $0x0, s20;
	[sflag:s22] =	ssyncset.done $0x0  }
0xa6: {  	[sflag:s22] =	ssyncadd.s32 s4;
	_ =	sdelay $0x1  }
0xa7: {  	s23 =	simm.s32 $0x1B8B  }
0xa8: {  	_ =	swait.ge [sflag:s23], $0x1  }
0xa9: {  	[sflag:s23] =	ssyncset.done $0x0  }
0xaa: {  	s25 =	simm.s32 $0x1B8E;
	s24 =	sld [smem:$0x3FFE];
	[sflag:s23] =	ssyncadd.s32 $0xFFFFFFFF  }
0xab: {  	s26 =	simm.s32 $execute0_lowered;
	[smem:$0x3FD2] =	sst s25  }
0xac: {  	s5 =	sshll.u32 s26, $0x1;
	_ =	strace $0x80000046;
	[dreg:$0x1] =	wrdreg $0xFFFFFFFF  }
0xad: {  	s28 =	simm.s32 $_size_execute0_lowered;
	s3 =	sadd.s32 s3, s5;
	[dreg:$0x0] =	wrdreg $0x0  }
0xae: {  	s5 =	sshll.u32 s28, $0x1;
	[dreg:$0x2] =	wrdreg s3  }
0xaf: {  	[dreg:$0x3] =	wrdreg s5  }
0xb0: {  	[dreg:$0x4] =	wrdreg $0xC0  }
0xb1: {  	_ =	task [dreg:s7], $0x5FFFF  }
0xb2: {  	[dreg:$0x1] =	wrdreg $0xFFFFFFFF  }
0xb3: {  	[dreg:$0x0] =	wrdreg $0x60  }
0xb4: {  	[dreg:$0x2] =	wrdreg s16  }
0xb5: {  	[dreg:$0x3] =	wrdreg s24  }
0xb6: {  	[dreg:$0x4] =	wrdreg $0x9  }
0xb7: {  	_ =	task.clear_ibuf [dreg:s7], $0x5FFFF;
	_ =	strace $0x90000046  }
0xb8: {  	s29 =	simm.s32 $0x9;
	_ =	strace $0x80000048  }
0xb9: {  	_ =	swait.ge [sflag:s29], $0x1  }
0xba: {  	[sflag:s29] =	ssyncadd.s32 $0xFFFFFFFF  }
0xbb: {  	_ =	strace $0x90000048  }
0xbc: {  	_ =	sfence  }
0xbd: {  	s30 =	sld [smem:$0x0];
	_ =	sdelay $0x2  }
0xbe: {  	s31 =	sshll.u32 s1, $0xD;
	s1 =	sshrl.u32 s1, $0x2  }
0xbf: {  	s3 =	sand.u32 $0x4000, s31;
	s1 =	sadd.s32 s1, s30  }
0xc0: {  	s0 =	sor.u32 s3, s0;
	s1 =	sshll.u32 s1, $0x11  }
0xc1: {  	s0 =	sor.u32 s1, s0  }
0xc2: {  	s0 =	sadd.s32 $0x8F2B, s0  }
0xc3: {  	[sflag:s0] =	ssyncadd.remote.s32 $0x1  }
0xc4: {  	_ =	sfence.sel $0xFFFF  }
0xc5: {  	[dreg:$0x0] =	wrdreg $0xFFFFFFFF;
	(pc) =	sbr.abs _section_cstart, $3  }
0xc6: {  	[dreg:$0x1] =	wrdreg $0xFFFFFFFF  }
0xc7: {  	_ =	task.clear_ibuf [dreg:s7], $0x2FFFF;
	_ =	strace $0x9FFFFFFF  }
0xc8: {  	(tm) =	ssettm $0x7FFFFFFF  }
0xc9: {  	_ =	shalt  }
tec
execute0_lowered:
.L_overlay_start_1:
0x0: {  	(tag) =	ssettag $0x1  }
0x1: {  	s3 =	rddreg [dreg:$0x0];
	s1 =	srdreg.scid  }
0x2: {  	s0 =	stileid.u32;
	s5 =	rddreg [dreg:$0x1];
	s4 =	sand.u32 $0x1, s1  }
0x3: {  	s2 =	sshll.u32 s0, $0x1;
	s1 =	rddreg [dreg:$0x2];
	s7 =	sshll.u32 s0, $0x5  }
0x4: {  	s6 =	sor.u32 s4, s2;
	s2 =	simm.s32 $0x0;
	s29 =	ssub.s32 $0x2, s4  }
0x5: {  	s8 =	sshll.u32 s6, $0x1;
	[smem:$0x7FF] =	sst s2;
	s6 =	sshll.u32 s6, $0x4  }
0x6: {  	s30 =	sshrl.u32 s29, $0x1;
	s7 =	sor.u32 s7, s8;
	_ =	strace $0x80000047  }
0x7: {  	s5 =	sadd.s32 s6, s5;
	s31 =	ssub.s32 s29, s30;
	s7 =	sand.u32 $0x18E, s7  }
0x8: {  	s6 =	smax.u32 s31, $0x1;
	s4 =	sadd.s32 s3, s7;
	s3 =	simm.s32 $0x1  }
0x9: {  	[tilespmem:s2], [sflag:$0x1] =	stream.linear.gather [hbm4b:s4+s2], $0x10, $0x38;
	[tilespmem:$0x80] =	vst v63  }
0xa: {  	p0 =	sne.s32 s6, $0x1;
	_ =	swait.ge [sflag:s3], $0x10  }
.Ltmp0:
0xb: {  	[sflag:s3] =	ssyncset.done $0x0;
	(pc) =	sbr.rel @!p0 .LBB2_2-.Ltmp0, $4  }
0xc: {  	s5 =	sadd.s32 $0x800, s5;
	[sflag:s3] =	ssyncadd.s32 $0xFFFFFFF0  }
0xd: {  	[hbm4b:s5+s2] =	stream.linear.scatter [tilespmem:s2], [sflag:$0x1], $0x80, $0x38;
	[tilespmem:$0x80] =	vst v63  }
0xe: {  	_ =	swait.ge [sflag:s3], $0x80  }
0xf: {  	s6 =	sadd.s32 $0xFFFFFFFF, s6;
	[sflag:s3] =	ssyncset.done $0x0  }
.LBB2_1:
0x10: {  	p0 =	sne.s32 s6, $0x1;
	s6 =	sadd.s32 $0xFFFFFFFF, s6;
	[sflag:s3] =	ssyncadd.s32 $0xFFFFFF80  }
0x11: {  	[tilespmem:s2], [sflag:$0x1] =	stream.linear.gather [hbm4b:s4+s2], $0x10, $0x38;
	[tilespmem:$0x80] =	vst v63  }
0x12: {  	_ =	swait.ge [sflag:s3], $0x10  }
.Ltmp1:
0x13: {  	[sflag:s3] =	ssyncset.done $0x0;
	(pc) =	sbr.rel @p0 .LBB2_1-.Ltmp1, $4  }
0x14: {  	[sflag:s3] =	ssyncadd.s32 $0xFFFFFFF0  }
0x15: {  	[hbm4b:s5+s2] =	stream.linear.scatter [tilespmem:s2], [sflag:$0x1], $0x80, $0x38;
	[tilespmem:$0x80] =	vst v63  }
0x16: {  	_ =	swait.ge [sflag:s3], $0x80  }
0x17: {  	[sflag:s3] =	ssyncset.done $0x0  }
.LBB2_2:
0x18: {  	[sflag:s3] =	ssyncadd.s32 $0xFFFFFF80  }
0x19: {  	_ =	sfence.sel $0x180000  }
0x1a: {  	[bflag:$0x0] =	sbarrier.arrive $0xFFFF  }
0x1b: {  	p0 =	sne.s32 s0, $0x0;
	_ =	strace $0x90000047  }
0x1c: {  	s0 =	sadd.s32 @!p0 $0x100000, s1;
	[bflag:$0x2] =	sbarrier.arrive $0xFFFF  }
0x1d: {  	[sflag:s0] =	ssyncadd.tile.s32 @!p0 $0x1;
	_ =	shalt  }
.Lfunc_end2:
_tile_overlayer_lowered:
.L_overlay_start_2:
0x1e: {  	(tag) =	ssettag $0x2  }
0x1f: {  	s0 =	rddreg [dreg:$0x0];
	s2 =	stileid.u32  }
0x20: {  	s1 =	rddreg [dreg:$0x1];
	p0 =	sne.s32 s2, $0x0  }
0x21: {  	s3 =	rddreg [dreg:$0x2];
	[bflag:$0x3] =	sbarrier.arrive $0xFFFF;
	s2 =	simm.s32 @!p0 $0x1C02  }
0x22: {  	[timem:s3], [sflag:s2] =	dma.local @!p0 [hbm:s0], s1  }
0x23: {  	s0 =	simm.s32 @!p0 $0x2  }
0x24: {  	_ =	swait.ge @!p0 [sflag:s0], s1  }
0x25: {  	s1 =	ssub.s32 @!p0 $0x0, s1;
	[sflag:s0] =	ssyncset.done @!p0 $0x0  }
0x26: {  	[sflag:s0] =	ssyncadd.s32 @!p0 s1  }
0x27: {  	[bflag:$0x3] =	sbarrier.arrive $0xFFFF  }
0x28: {  	_ =	shalt  }

</sc_bundles>
